<compile_context>
chip_gen: v7x
topology: tpu7x:2x2x1
jax: 0.10.2.dev20260603
libtpu: 0.0.44.dev20260713+nightly
codegen_flags: <defaults>
</compile_context>

<pallas_src>
import functools

import jax
import jax.numpy as jnp
from jax import lax
from jax.experimental import pallas as pl
from jax.experimental.pallas import tpu as pltpu
from jax.experimental.pallas import tpu_sc as plsc

_D = 128
_ROWS = 1000
_B = 16384
_NC = 2
_NS = 16
_NW = _NC * _NS
_BPW = _B // _NW
_L = 16
_NCH = 8
_CH = _BPW // _NCH
_NSTAGE = 5


def _sc_gather(t, pe):
    mesh = plsc.VectorSubcoreMesh(core_axis_name="c", subcore_axis_name="s")

    @functools.partial(
        pl.kernel,
        mesh=mesh,
        out_type=jax.ShapeDtypeStruct((_B, _D), jnp.float32),
        scratch_types=[
            pltpu.VMEM((_BPW,), jnp.int32),
            pltpu.VMEM((_BPW, _D), jnp.float32),
            pltpu.VMEM_SHARED((_ROWS, _D), jnp.float32),
        ] + [pltpu.SemaphoreType.DMA] * (_NCH + 3),
    )
    def k(idx_hbm, table_hbm, out_hbm, idx_v, rows_v, table_s, *sems):
        gsems, wsem = sems[:_NCH], sems[_NCH]
        isem, ssem = sems[_NCH + 1], sems[_NCH + 2]
        sid = lax.axis_index("s")
        wid = sid * _NC + lax.axis_index("c")
        base = wid * _BPW

        icp = pltpu.async_copy(idx_hbm.at[pl.ds(base, _BPW)], idx_v, isem)
        rpt = _ROWS // _NSTAGE
        @pl.when(sid < _NSTAGE)
        def _():
            pltpu.async_copy(table_hbm.at[pl.ds(sid * rpt, rpt)],
                             table_s.at[pl.ds(sid * rpt, rpt)], ssem)

        icp.wait()

        def clip_body(i, carry):
            off = pl.multiple_of(i * _L, _L)
            v = idx_v[pl.ds(off, _L)]
            idx_v[pl.ds(off, _L)] = jnp.minimum(
                jnp.maximum(v, 0), _ROWS - 1)
            return carry
        lax.fori_loop(0, _BPW // _L, clip_body, 0)

        @pl.when(sid < _NSTAGE)
        def _():
            pltpu.make_async_copy(
                table_hbm.at[pl.ds(sid * rpt, rpt)],
                table_s.at[pl.ds(sid * rpt, rpt)], ssem).wait()
        plsc.subcore_barrier()

        gathers = []
        for c in range(_NCH):
            gathers.append(pltpu.async_copy(
                table_s.at[idx_v.at[pl.ds(c * _CH, _CH)]],
                rows_v.at[pl.ds(c * _CH, _CH)],
                gsems[c]))

        writes = []
        for c in range(_NCH):
            gathers[c].wait()
            writes.append(pltpu.async_copy(
                rows_v.at[pl.ds(c * _CH, _CH)],
                out_hbm.at[pl.ds(base + c * _CH, _CH)],
                wsem))
        for w in writes:
            w.wait()

    return k(t, pe)


def kernel(t, pe):
    assert t.shape == (_B,) and pe.shape == (_ROWS, _D), (t.shape, pe.shape)
    return _sc_gather(t.astype(jnp.int32), pe)

# --- scband reference (transcript-rebuilt; emitter-appended) ---
"""Pipeline reference for scband-sinusoidal-time-embedding-2224793060092 (READ-ONLY COPY).

The authoritative reference and input builder live on the scoring server;
editing this copy changes nothing except your own understanding.
"""

import jax, jax.numpy as jnp
import numpy as np
import math

D_MODEL = 128
MAX_STEPS = 1000
BATCH = 16384

def _build_pe():
    half = D_MODEL // 2
    pe = np.zeros((MAX_STEPS, D_MODEL), dtype=np.float32)
    position = np.arange(0, MAX_STEPS, dtype=np.float32)[:, None]
    div_term = np.exp(np.arange(0, half, 2, dtype=np.float32) * (-math.log(10000.0) / half))
    pe[:, 0:half:2] = np.sin(position * div_term)
    pe[:, 1:half:2] = np.cos(position * div_term)
    if D_MODEL % 2:
        pe[:, -1] = np.cos(position[:, 0] * div_term[-1])
    return jnp.asarray(pe)

def setup_inputs(seed: int = 0) -> dict:
    key = jax.random.key(seed)
    t = jax.random.randint(key, (BATCH,), 0, MAX_STEPS, dtype=jnp.int64 if jax.config.jax_enable_x64 else jnp.int32)
    pe = _build_pe()
    return {"t": t, "pe": pe}

def reference(t, pe):
    idx = jnp.clip(t, 0, pe.shape[0] - 1)
    return jnp.take(pe, idx, axis=0)

if __name__ == "__main__":
    import jax
    _d = setup_inputs()
    print(jax.jit(kernel)(*tuple(_d.values())))

</pallas_src>

<mosaic_0001>
#map = affine_map<(d0, d1) -> (0)>
#map1 = affine_map<(d0, d1) -> (0, 0)>
module attributes {stable_mosaic.version = 14 : i64} {
  func.func @k(%arg0: i32, %arg1: i32, %arg2: memref<16384xi32, #tpu.memory_space<hbm>>, %arg3: memref<1000x128xf32, #tpu.memory_space<hbm>>, %arg4: memref<16384x128xf32, #tpu.memory_space<hbm>>, %arg5: memref<512xi32, #tpu.memory_space<vmem>>, %arg6: memref<512x128xf32, #tpu.memory_space<vmem>>, %arg7: memref<1000x128xf32, #tpu.memory_space<vmem_shared>>, %arg8: memref<!tpu.dma_semaphore, #tpu.memory_space<semaphore_mem>>, %arg9: memref<!tpu.dma_semaphore, #tpu.memory_space<semaphore_mem>>, %arg10: memref<!tpu.dma_semaphore, #tpu.memory_space<semaphore_mem>>, %arg11: memref<!tpu.dma_semaphore, #tpu.memory_space<semaphore_mem>>, %arg12: memref<!tpu.dma_semaphore, #tpu.memory_space<semaphore_mem>>, %arg13: memref<!tpu.dma_semaphore, #tpu.memory_space<semaphore_mem>>, %arg14: memref<!tpu.dma_semaphore, #tpu.memory_space<semaphore_mem>>, %arg15: memref<!tpu.dma_semaphore, #tpu.memory_space<semaphore_mem>>, %arg16: memref<!tpu.dma_semaphore, #tpu.memory_space<semaphore_mem>>, %arg17: memref<!tpu.dma_semaphore, #tpu.memory_space<semaphore_mem>>, %arg18: memref<!tpu.dma_semaphore, #tpu.memory_space<semaphore_mem>>) attributes {dimension_semantics = [#tpu.dimension_semantics<core_parallel>, #tpu.dimension_semantics<subcore_parallel>], iteration_bounds = array<i64: 2, 16>, scalar_prefetch = 0 : i64, scratch_operands = 14 : i64, tpu.core_type = #tpu.core_type<sc_vector_subcore>, window_params = [{transform_indices = #map}, {transform_indices = #map1}, {transform_indices = #map1}]} {
    %mul3A = arith.constant 2 : i32
    %mul3A_0 = arith.muli %arg1, %mul3A : i32
    %add3A = arith.addi %mul3A_0, %arg0 : i32
    %mul3A_1 = arith.constant 512 : i32
    %mul3A_2 = arith.muli %add3A, %mul3A_1 : i32
    %dma_start3A = tpu.memref_slice %arg2[%mul3A_2] : memref<16384xi32, #tpu.memory_space<hbm>> -> memref<512xi32, #tpu.memory_space<hbm>>
    %dma_start3A_3 = tpu.memref_slice %arg2[%mul3A_2] : memref<16384xi32, #tpu.memory_space<hbm>> -> memref<512xi32, #tpu.memory_space<hbm>>
    tpu.enqueue_dma source(%dma_start3A_3 : memref<512xi32, #tpu.memory_space<hbm>>) target(%arg5 : memref<512xi32, #tpu.memory_space<vmem>>) target_semaphore(%arg17 : memref<!tpu.dma_semaphore, #tpu.memory_space<semaphore_mem>>)
    %lt3A = arith.constant 5 : i32
    %lt3A_4 = arith.cmpi slt, %arg1, %lt3A : i32
    %convert_element_type3A = arith.extui %lt3A_4 : i1 to i32
    %cond3A = arith.constant 0 : i32
    %cond3A_5 = arith.cmpi ne, %convert_element_type3A, %cond3A : i32
    scf.if %cond3A_5 {
      %mul3A_321 = arith.constant 200 : i32
      %mul3A_322 = arith.muli %arg1, %mul3A_321 : i32
      %mul3A_323 = arith.constant 200 : i32
      %mul3A_324 = arith.muli %arg1, %mul3A_323 : i32
      %dma_start3A_325 = arith.constant 0 : i32
      %dma_start3A_326 = tpu.memref_slice %arg7[%mul3A_324, %dma_start3A_325] : memref<1000x128xf32, #tpu.memory_space<vmem_shared>> -> memref<200x128xf32, #tpu.memory_space<vmem_shared>>
      %dma_start3A_327 = arith.constant 0 : i32
      %dma_start3A_328 = tpu.memref_slice %arg3[%mul3A_322, %dma_start3A_327] : memref<1000x128xf32, #tpu.memory_space<hbm>> -> memref<200x128xf32, #tpu.memory_space<hbm>>
      tpu.enqueue_dma source(%dma_start3A_328 : memref<200x128xf32, #tpu.memory_space<hbm>>) target(%dma_start3A_326 : memref<200x128xf32, #tpu.memory_space<vmem_shared>>) target_semaphore(%arg18 : memref<!tpu.dma_semaphore, #tpu.memory_space<semaphore_mem>>)
    } else {
    }
    %dma_wait3A = tpu.memref_slice %arg2[%mul3A_2] : memref<16384xi32, #tpu.memory_space<hbm>> -> memref<512xi32, #tpu.memory_space<hbm>>
    %dma_wait3A_6 = tpu.memref_slice %arg2[%mul3A_2] : memref<16384xi32, #tpu.memory_space<hbm>> -> memref<512xi32, #tpu.memory_space<hbm>>
    tpu.wait_dma2 semaphore(%arg17 : memref<!tpu.dma_semaphore, #tpu.memory_space<semaphore_mem>>) src(%dma_wait3A_6 : memref<512xi32, #tpu.memory_space<hbm>>) dst(%arg5 : memref<512xi32, #tpu.memory_space<vmem>>)
    %scan3A = arith.constant 0 : i32
    %scan3A_7 = arith.constant 0 : i32
    %scan3A_8 = arith.constant 32 : i32
    %scan3A_9 = arith.addi %scan3A_7, %scan3A_8 : i32
    %scan3A_10 = arith.constant 1 : i32
    scf.for %scan3A_321 = %scan3A_7 to %scan3A_9 step %scan3A_10  : i32 {
      %mul3A_322 = arith.constant 16 : i32
      %mul3A_323 = arith.muli %scan3A_321, %mul3A_322 : i32
      %multiple_of3A = tpu.assume_multiple %mul3A_323, 16 : i32
      %get3A = arith.index_cast %multiple_of3A : i32 to index
      %get3A_324 = tpu.vector_load %arg5[%get3A] {strides = array<i32>} : memref<512xi32, #tpu.memory_space<vmem>>, vector<16xi32>,
      %get3A_325 = vector.shape_cast %get3A_324 : vector<16xi32> to vector<16xi32>
      %max3A = arith.constant 0 : i32
      %max3A_326 = vector.broadcast %max3A : i32 to vector<16xi32>
      %max3A_327 = arith.maxsi %get3A_325, %max3A_326 : vector<16xi32>
      %min3A = arith.constant 999 : i32
      %min3A_328 = vector.broadcast %min3A : i32 to vector<16xi32>
      %min3A_329 = arith.minsi %max3A_327, %min3A_328 : vector<16xi32>
      %swap3A = arith.index_cast %multiple_of3A : i32 to index
      %swap3A_330 = tpu.vector_load %arg5[%swap3A] {strides = array<i32>} : memref<512xi32, #tpu.memory_space<vmem>>, vector<16xi32>,
      %swap3A_331 = vector.shape_cast %swap3A_330 : vector<16xi32> to vector<16xi32>
      %swap3A_332 = vector.shape_cast %min3A_329 : vector<16xi32> to vector<16xi32>
      tpu.vector_store %arg5[%swap3A], %swap3A_332 {strides = array<i32>} : memref<512xi32, #tpu.memory_space<vmem>>, vector<16xi32>,
    }
    %scan3A_11 = arith.constant 32 : i32
    %lt3A_12 = arith.constant 5 : i32
    %lt3A_13 = arith.cmpi slt, %arg1, %lt3A_12 : i32
    %convert_element_type3A_14 = arith.extui %lt3A_13 : i1 to i32
    %cond3A_15 = arith.constant 0 : i32
    %cond3A_16 = arith.cmpi ne, %convert_element_type3A_14, %cond3A_15 : i32
    scf.if %cond3A_16 {
      %mul3A_321 = arith.constant 200 : i32
      %mul3A_322 = arith.muli %arg1, %mul3A_321 : i32
      %mul3A_323 = arith.constant 200 : i32
      %mul3A_324 = arith.muli %arg1, %mul3A_323 : i32
      %dma_wait3A_325 = arith.constant 0 : i32
      %dma_wait3A_326 = tpu.memref_slice %arg7[%mul3A_324, %dma_wait3A_325] : memref<1000x128xf32, #tpu.memory_space<vmem_shared>> -> memref<200x128xf32, #tpu.memory_space<vmem_shared>>
      %dma_wait3A_327 = arith.constant 0 : i32
      %dma_wait3A_328 = tpu.memref_slice %arg3[%mul3A_322, %dma_wait3A_327] : memref<1000x128xf32, #tpu.memory_space<hbm>> -> memref<200x128xf32, #tpu.memory_space<hbm>>
      tpu.wait_dma2 semaphore(%arg18 : memref<!tpu.dma_semaphore, #tpu.memory_space<semaphore_mem>>) src(%dma_wait3A_328 : memref<200x128xf32, #tpu.memory_space<hbm>>) dst(%dma_wait3A_326 : memref<200x128xf32, #tpu.memory_space<vmem_shared>>)
    } else {
    }
    %barrier3A = arith.constant 0 : index
    tpu.barrier barrier_id(%barrier3A)
    %dma_start3A_17 = arith.constant 0 : i32
    %dma_start3A_18 = arith.constant 0 : i32
    %dma_start3A_19 = tpu.memref_slice %arg6[%dma_start3A_17, %dma_start3A_18] : memref<512x128xf32, #tpu.memory_space<vmem>> -> memref<64x128xf32, #tpu.memory_space<vmem>>
    %dma_start3A_20 = arith.constant 0 : i32
    %dma_start3A_21 = tpu.memref_slice %arg5[%dma_start3A_20] : memref<512xi32, #tpu.memory_space<vmem>> -> memref<64xi32, #tpu.memory_space<vmem>>
    %dma_start3A_22 = arith.constant 0 : i32
    %dma_start3A_23 = arith.constant 0 : i32
    %dma_start3A_24 = tpu.memref_slice %arg7[%dma_start3A_22, %dma_start3A_23] : memref<1000x128xf32, #tpu.memory_space<vmem_shared>> -> memref<1000x128xf32, #tpu.memory_space<vmem_shared>>
    tpu.enqueue_indirect_dma source(%dma_start3A_24 : memref<1000x128xf32, #tpu.memory_space<vmem_shared>>) target(%dma_start3A_19 : memref<64x128xf32, #tpu.memory_space<vmem>>) offsets(%dma_start3A_21 : memref<64xi32, #tpu.memory_space<vmem>>) semaphore(%arg8 : memref<!tpu.dma_semaphore, #tpu.memory_space<semaphore_mem>>)
    %dma_start3A_25 = arith.constant 64 : i32
    %dma_start3A_26 = arith.constant 0 : i32
    %dma_start3A_27 = tpu.memref_slice %arg6[%dma_start3A_25, %dma_start3A_26] : memref<512x128xf32, #tpu.memory_space<vmem>> -> memref<64x128xf32, #tpu.memory_space<vmem>>
    %dma_start3A_28 = arith.constant 64 : i32
    %dma_start3A_29 = tpu.memref_slice %arg5[%dma_start3A_28] : memref<512xi32, #tpu.memory_space<vmem>> -> memref<64xi32, #tpu.memory_space<vmem>>
    %dma_start3A_30 = arith.constant 0 : i32
    %dma_start3A_31 = arith.constant 0 : i32
    %dma_start3A_32 = tpu.memref_slice %arg7[%dma_start3A_30, %dma_start3A_31] : memref<1000x128xf32, #tpu.memory_space<vmem_shared>> -> memref<1000x128xf32, #tpu.memory_space<vmem_shared>>
    tpu.enqueue_indirect_dma source(%dma_start3A_32 : memref<1000x128xf32, #tpu.memory_space<vmem_shared>>) target(%dma_start3A_27 : memref<64x128xf32, #tpu.memory_space<vmem>>) offsets(%dma_start3A_29 : memref<64xi32, #tpu.memory_space<vmem>>) semaphore(%arg9 : memref<!tpu.dma_semaphore, #tpu.memory_space<semaphore_mem>>)
    %dma_start3A_33 = arith.constant 128 : i32
    %dma_start3A_34 = arith.constant 0 : i32
    %dma_start3A_35 = tpu.memref_slice %arg6[%dma_start3A_33, %dma_start3A_34] : memref<512x128xf32, #tpu.memory_space<vmem>> -> memref<64x128xf32, #tpu.memory_space<vmem>>
    %dma_start3A_36 = arith.constant 128 : i32
    %dma_start3A_37 = tpu.memref_slice %arg5[%dma_start3A_36] : memref<512xi32, #tpu.memory_space<vmem>> -> memref<64xi32, #tpu.memory_space<vmem>>
    %dma_start3A_38 = arith.constant 0 : i32
    %dma_start3A_39 = arith.constant 0 : i32
    %dma_start3A_40 = tpu.memref_slice %arg7[%dma_start3A_38, %dma_start3A_39] : memref<1000x128xf32, #tpu.memory_space<vmem_shared>> -> memref<1000x128xf32, #tpu.memory_space<vmem_shared>>
    tpu.enqueue_indirect_dma source(%dma_start3A_40 : memref<1000x128xf32, #tpu.memory_space<vmem_shared>>) target(%dma_start3A_35 : memref<64x128xf32, #tpu.memory_space<vmem>>) offsets(%dma_start3A_37 : memref<64xi32, #tpu.memory_space<vmem>>) semaphore(%arg10 : memref<!tpu.dma_semaphore, #tpu.memory_space<semaphore_mem>>)
    %dma_start3A_41 = arith.constant 192 : i32
    %dma_start3A_42 = arith.constant 0 : i32
    %dma_start3A_43 = tpu.memref_slice %arg6[%dma_start3A_41, %dma_start3A_42] : memref<512x128xf32, #tpu.memory_space<vmem>> -> memref<64x128xf32, #tpu.memory_space<vmem>>
    %dma_start3A_44 = arith.constant 192 : i32
    %dma_start3A_45 = tpu.memref_slice %arg5[%dma_start3A_44] : memref<512xi32, #tpu.memory_space<vmem>> -> memref<64xi32, #tpu.memory_space<vmem>>
    %dma_start3A_46 = arith.constant 0 : i32
    %dma_start3A_47 = arith.constant 0 : i32
    %dma_start3A_48 = tpu.memref_slice %arg7[%dma_start3A_46, %dma_start3A_47] : memref<1000x128xf32, #tpu.memory_space<vmem_shared>> -> memref<1000x128xf32, #tpu.memory_space<vmem_shared>>
    tpu.enqueue_indirect_dma source(%dma_start3A_48 : memref<1000x128xf32, #tpu.memory_space<vmem_shared>>) target(%dma_start3A_43 : memref<64x128xf32, #tpu.memory_space<vmem>>) offsets(%dma_start3A_45 : memref<64xi32, #tpu.memory_space<vmem>>) semaphore(%arg11 : memref<!tpu.dma_semaphore, #tpu.memory_space<semaphore_mem>>)
    %dma_start3A_49 = arith.constant 256 : i32
    %dma_start3A_50 = arith.constant 0 : i32
    %dma_start3A_51 = tpu.memref_slice %arg6[%dma_start3A_49, %dma_start3A_50] : memref<512x128xf32, #tpu.memory_space<vmem>> -> memref<64x128xf32, #tpu.memory_space<vmem>>
    %dma_start3A_52 = arith.constant 256 : i32
    %dma_start3A_53 = tpu.memref_slice %arg5[%dma_start3A_52] : memref<512xi32, #tpu.memory_space<vmem>> -> memref<64xi32, #tpu.memory_space<vmem>>
    %dma_start3A_54 = arith.constant 0 : i32
    %dma_start3A_55 = arith.constant 0 : i32
    %dma_start3A_56 = tpu.memref_slice %arg7[%dma_start3A_54, %dma_start3A_55] : memref<1000x128xf32, #tpu.memory_space<vmem_shared>> -> memref<1000x128xf32, #tpu.memory_space<vmem_shared>>
    tpu.enqueue_indirect_dma source(%dma_start3A_56 : memref<1000x128xf32, #tpu.memory_space<vmem_shared>>) target(%dma_start3A_51 : memref<64x128xf32, #tpu.memory_space<vmem>>) offsets(%dma_start3A_53 : memref<64xi32, #tpu.memory_space<vmem>>) semaphore(%arg12 : memref<!tpu.dma_semaphore, #tpu.memory_space<semaphore_mem>>)
    %dma_start3A_57 = arith.constant 320 : i32
    %dma_start3A_58 = arith.constant 0 : i32
    %dma_start3A_59 = tpu.memref_slice %arg6[%dma_start3A_57, %dma_start3A_58] : memref<512x128xf32, #tpu.memory_space<vmem>> -> memref<64x128xf32, #tpu.memory_space<vmem>>
    %dma_start3A_60 = arith.constant 320 : i32
    %dma_start3A_61 = tpu.memref_slice %arg5[%dma_start3A_60] : memref<512xi32, #tpu.memory_space<vmem>> -> memref<64xi32, #tpu.memory_space<vmem>>
    %dma_start3A_62 = arith.constant 0 : i32
    %dma_start3A_63 = arith.constant 0 : i32
    %dma_start3A_64 = tpu.memref_slice %arg7[%dma_start3A_62, %dma_start3A_63] : memref<1000x128xf32, #tpu.memory_space<vmem_shared>> -> memref<1000x128xf32, #tpu.memory_space<vmem_shared>>
    tpu.enqueue_indirect_dma source(%dma_start3A_64 : memref<1000x128xf32, #tpu.memory_space<vmem_shared>>) target(%dma_start3A_59 : memref<64x128xf32, #tpu.memory_space<vmem>>) offsets(%dma_start3A_61 : memref<64xi32, #tpu.memory_space<vmem>>) semaphore(%arg13 : memref<!tpu.dma_semaphore, #tpu.memory_space<semaphore_mem>>)
    %dma_start3A_65 = arith.constant 384 : i32
    %dma_start3A_66 = arith.constant 0 : i32
    %dma_start3A_67 = tpu.memref_slice %arg6[%dma_start3A_65, %dma_start3A_66] : memref<512x128xf32, #tpu.memory_space<vmem>> -> memref<64x128xf32, #tpu.memory_space<vmem>>
    %dma_start3A_68 = arith.constant 384 : i32
    %dma_start3A_69 = tpu.memref_slice %arg5[%dma_start3A_68] : memref<512xi32, #tpu.memory_space<vmem>> -> memref<64xi32, #tpu.memory_space<vmem>>
    %dma_start3A_70 = arith.constant 0 : i32
    %dma_start3A_71 = arith.constant 0 : i32
    %dma_start3A_72 = tpu.memref_slice %arg7[%dma_start3A_70, %dma_start3A_71] : memref<1000x128xf32, #tpu.memory_space<vmem_shared>> -> memref<1000x128xf32, #tpu.memory_space<vmem_shared>>
    tpu.enqueue_indirect_dma source(%dma_start3A_72 : memref<1000x128xf32, #tpu.memory_space<vmem_shared>>) target(%dma_start3A_67 : memref<64x128xf32, #tpu.memory_space<vmem>>) offsets(%dma_start3A_69 : memref<64xi32, #tpu.memory_space<vmem>>) semaphore(%arg14 : memref<!tpu.dma_semaphore, #tpu.memory_space<semaphore_mem>>)
    %dma_start3A_73 = arith.constant 448 : i32
    %dma_start3A_74 = arith.constant 0 : i32
    %dma_start3A_75 = tpu.memref_slice %arg6[%dma_start3A_73, %dma_start3A_74] : memref<512x128xf32, #tpu.memory_space<vmem>> -> memref<64x128xf32, #tpu.memory_space<vmem>>
    %dma_start3A_76 = arith.constant 448 : i32
    %dma_start3A_77 = tpu.memref_slice %arg5[%dma_start3A_76] : memref<512xi32, #tpu.memory_space<vmem>> -> memref<64xi32, #tpu.memory_space<vmem>>
    %dma_start3A_78 = arith.constant 0 : i32
    %dma_start3A_79 = arith.constant 0 : i32
    %dma_start3A_80 = tpu.memref_slice %arg7[%dma_start3A_78, %dma_start3A_79] : memref<1000x128xf32, #tpu.memory_space<vmem_shared>> -> memref<1000x128xf32, #tpu.memory_space<vmem_shared>>
    tpu.enqueue_indirect_dma source(%dma_start3A_80 : memref<1000x128xf32, #tpu.memory_space<vmem_shared>>) target(%dma_start3A_75 : memref<64x128xf32, #tpu.memory_space<vmem>>) offsets(%dma_start3A_77 : memref<64xi32, #tpu.memory_space<vmem>>) semaphore(%arg15 : memref<!tpu.dma_semaphore, #tpu.memory_space<semaphore_mem>>)
    %dma_wait3A_81 = arith.constant 0 : i32
    %dma_wait3A_82 = arith.constant 0 : i32
    %dma_wait3A_83 = tpu.memref_slice %arg6[%dma_wait3A_81, %dma_wait3A_82] : memref<512x128xf32, #tpu.memory_space<vmem>> -> memref<64x128xf32, #tpu.memory_space<vmem>>
    %dma_wait3A_84 = arith.constant 0 : i32
    %dma_wait3A_85 = tpu.memref_slice %arg5[%dma_wait3A_84] : memref<512xi32, #tpu.memory_space<vmem>> -> memref<64xi32, #tpu.memory_space<vmem>>
    %dma_wait3A_86 = arith.constant 0 : i32
    %dma_wait3A_87 = arith.constant 0 : i32
    %dma_wait3A_88 = tpu.memref_slice %arg7[%dma_wait3A_86, %dma_wait3A_87] : memref<1000x128xf32, #tpu.memory_space<vmem_shared>> -> memref<1000x128xf32, #tpu.memory_space<vmem_shared>>
    tpu.wait_indirect_dma semaphore(%arg8 : memref<!tpu.dma_semaphore, #tpu.memory_space<semaphore_mem>>) src(%dma_wait3A_88 : memref<1000x128xf32, #tpu.memory_space<vmem_shared>>) dst(%dma_wait3A_83 : memref<64x128xf32, #tpu.memory_space<vmem>>)
    %add3A_89 = arith.constant 0 : i32
    %add3A_90 = arith.addi %mul3A_2, %add3A_89 : i32
    %dma_start3A_91 = arith.constant 0 : i32
    %dma_start3A_92 = arith.constant 0 : i32
    %dma_start3A_93 = tpu.memref_slice %arg6[%dma_start3A_91, %dma_start3A_92] : memref<512x128xf32, #tpu.memory_space<vmem>> -> memref<64x128xf32, #tpu.memory_space<vmem>>
    %dma_start3A_94 = arith.constant 0 : i32
    %dma_start3A_95 = tpu.memref_slice %arg4[%add3A_90, %dma_start3A_94] : memref<16384x128xf32, #tpu.memory_space<hbm>> -> memref<64x128xf32, #tpu.memory_space<hbm>>
    %dma_start3A_96 = arith.constant 0 : i32
    %dma_start3A_97 = tpu.memref_slice %arg4[%add3A_90, %dma_start3A_96] : memref<16384x128xf32, #tpu.memory_space<hbm>> -> memref<64x128xf32, #tpu.memory_space<hbm>>
    %dma_start3A_98 = arith.constant 0 : i32
    %dma_start3A_99 = arith.constant 0 : i32
    %dma_start3A_100 = tpu.memref_slice %arg6[%dma_start3A_98, %dma_start3A_99] : memref<512x128xf32, #tpu.memory_space<vmem>> -> memref<64x128xf32, #tpu.memory_space<vmem>>
    tpu.enqueue_dma source(%dma_start3A_100 : memref<64x128xf32, #tpu.memory_space<vmem>>) target(%dma_start3A_97 : memref<64x128xf32, #tpu.memory_space<hbm>>) target_semaphore(%arg16 : memref<!tpu.dma_semaphore, #tpu.memory_space<semaphore_mem>>)
    %dma_wait3A_101 = arith.constant 64 : i32
    %dma_wait3A_102 = arith.constant 0 : i32
    %dma_wait3A_103 = tpu.memref_slice %arg6[%dma_wait3A_101, %dma_wait3A_102] : memref<512x128xf32, #tpu.memory_space<vmem>> -> memref<64x128xf32, #tpu.memory_space<vmem>>
    %dma_wait3A_104 = arith.constant 64 : i32
    %dma_wait3A_105 = tpu.memref_slice %arg5[%dma_wait3A_104] : memref<512xi32, #tpu.memory_space<vmem>> -> memref<64xi32, #tpu.memory_space<vmem>>
    %dma_wait3A_106 = arith.constant 0 : i32
    %dma_wait3A_107 = arith.constant 0 : i32
    %dma_wait3A_108 = tpu.memref_slice %arg7[%dma_wait3A_106, %dma_wait3A_107] : memref<1000x128xf32, #tpu.memory_space<vmem_shared>> -> memref<1000x128xf32, #tpu.memory_space<vmem_shared>>
    tpu.wait_indirect_dma semaphore(%arg9 : memref<!tpu.dma_semaphore, #tpu.memory_space<semaphore_mem>>) src(%dma_wait3A_108 : memref<1000x128xf32, #tpu.memory_space<vmem_shared>>) dst(%dma_wait3A_103 : memref<64x128xf32, #tpu.memory_space<vmem>>)
    %add3A_109 = arith.constant 64 : i32
    %add3A_110 = arith.addi %mul3A_2, %add3A_109 : i32
    %dma_start3A_111 = arith.constant 64 : i32
    %dma_start3A_112 = arith.constant 0 : i32
    %dma_start3A_113 = tpu.memref_slice %arg6[%dma_start3A_111, %dma_start3A_112] : memref<512x128xf32, #tpu.memory_space<vmem>> -> memref<64x128xf32, #tpu.memory_space<vmem>>
    %dma_start3A_114 = arith.constant 0 : i32
    %dma_start3A_115 = tpu.memref_slice %arg4[%add3A_110, %dma_start3A_114] : memref<16384x128xf32, #tpu.memory_space<hbm>> -> memref<64x128xf32, #tpu.memory_space<hbm>>
    %dma_start3A_116 = arith.constant 0 : i32
    %dma_start3A_117 = tpu.memref_slice %arg4[%add3A_110, %dma_start3A_116] : memref<16384x128xf32, #tpu.memory_space<hbm>> -> memref<64x128xf32, #tpu.memory_space<hbm>>
    %dma_start3A_118 = arith.constant 64 : i32
    %dma_start3A_119 = arith.constant 0 : i32
    %dma_start3A_120 = tpu.memref_slice %arg6[%dma_start3A_118, %dma_start3A_119] : memref<512x128xf32, #tpu.memory_space<vmem>> -> memref<64x128xf32, #tpu.memory_space<vmem>>
    tpu.enqueue_dma source(%dma_start3A_120 : memref<64x128xf32, #tpu.memory_space<vmem>>) target(%dma_start3A_117 : memref<64x128xf32, #tpu.memory_space<hbm>>) target_semaphore(%arg16 : memref<!tpu.dma_semaphore, #tpu.memory_space<semaphore_mem>>)
    %dma_wait3A_121 = arith.constant 128 : i32
    %dma_wait3A_122 = arith.constant 0 : i32
    %dma_wait3A_123 = tpu.memref_slice %arg6[%dma_wait3A_121, %dma_wait3A_122] : memref<512x128xf32, #tpu.memory_space<vmem>> -> memref<64x128xf32, #tpu.memory_space<vmem>>
    %dma_wait3A_124 = arith.constant 128 : i32
    %dma_wait3A_125 = tpu.memref_slice %arg5[%dma_wait3A_124] : memref<512xi32, #tpu.memory_space<vmem>> -> memref<64xi32, #tpu.memory_space<vmem>>
    %dma_wait3A_126 = arith.constant 0 : i32
    %dma_wait3A_127 = arith.constant 0 : i32
    %dma_wait3A_128 = tpu.memref_slice %arg7[%dma_wait3A_126, %dma_wait3A_127] : memref<1000x128xf32, #tpu.memory_space<vmem_shared>> -> memref<1000x128xf32, #tpu.memory_space<vmem_shared>>
    tpu.wait_indirect_dma semaphore(%arg10 : memref<!tpu.dma_semaphore, #tpu.memory_space<semaphore_mem>>) src(%dma_wait3A_128 : memref<1000x128xf32, #tpu.memory_space<vmem_shared>>) dst(%dma_wait3A_123 : memref<64x128xf32, #tpu.memory_space<vmem>>)
    %add3A_129 = arith.constant 128 : i32
    %add3A_130 = arith.addi %mul3A_2, %add3A_129 : i32
    %dma_start3A_131 = arith.constant 128 : i32
    %dma_start3A_132 = arith.constant 0 : i32
    %dma_start3A_133 = tpu.memref_slice %arg6[%dma_start3A_131, %dma_start3A_132] : memref<512x128xf32, #tpu.memory_space<vmem>> -> memref<64x128xf32, #tpu.memory_space<vmem>>
    %dma_start3A_134 = arith.constant 0 : i32
    %dma_start3A_135 = tpu.memref_slice %arg4[%add3A_130, %dma_start3A_134] : memref<16384x128xf32, #tpu.memory_space<hbm>> -> memref<64x128xf32, #tpu.memory_space<hbm>>
    %dma_start3A_136 = arith.constant 0 : i32
    %dma_start3A_137 = tpu.memref_slice %arg4[%add3A_130, %dma_start3A_136] : memref<16384x128xf32, #tpu.memory_space<hbm>> -> memref<64x128xf32, #tpu.memory_space<hbm>>
    %dma_start3A_138 = arith.constant 128 : i32
    %dma_start3A_139 = arith.constant 0 : i32
    %dma_start3A_140 = tpu.memref_slice %arg6[%dma_start3A_138, %dma_start3A_139] : memref<512x128xf32, #tpu.memory_space<vmem>> -> memref<64x128xf32, #tpu.memory_space<vmem>>
    tpu.enqueue_dma source(%dma_start3A_140 : memref<64x128xf32, #tpu.memory_space<vmem>>) target(%dma_start3A_137 : memref<64x128xf32, #tpu.memory_space<hbm>>) target_semaphore(%arg16 : memref<!tpu.dma_semaphore, #tpu.memory_space<semaphore_mem>>)
    %dma_wait3A_141 = arith.constant 192 : i32
    %dma_wait3A_142 = arith.constant 0 : i32
    %dma_wait3A_143 = tpu.memref_slice %arg6[%dma_wait3A_141, %dma_wait3A_142] : memref<512x128xf32, #tpu.memory_space<vmem>> -> memref<64x128xf32, #tpu.memory_space<vmem>>
    %dma_wait3A_144 = arith.constant 192 : i32
    %dma_wait3A_145 = tpu.memref_slice %arg5[%dma_wait3A_144] : memref<512xi32, #tpu.memory_space<vmem>> -> memref<64xi32, #tpu.memory_space<vmem>>
    %dma_wait3A_146 = arith.constant 0 : i32
    %dma_wait3A_147 = arith.constant 0 : i32
    %dma_wait3A_148 = tpu.memref_slice %arg7[%dma_wait3A_146, %dma_wait3A_147] : memref<1000x128xf32, #tpu.memory_space<vmem_shared>> -> memref<1000x128xf32, #tpu.memory_space<vmem_shared>>
    tpu.wait_indirect_dma semaphore(%arg11 : memref<!tpu.dma_semaphore, #tpu.memory_space<semaphore_mem>>) src(%dma_wait3A_148 : memref<1000x128xf32, #tpu.memory_space<vmem_shared>>) dst(%dma_wait3A_143 : memref<64x128xf32, #tpu.memory_space<vmem>>)
    %add3A_149 = arith.constant 192 : i32
    %add3A_150 = arith.addi %mul3A_2, %add3A_149 : i32
    %dma_start3A_151 = arith.constant 192 : i32
    %dma_start3A_152 = arith.constant 0 : i32
    %dma_start3A_153 = tpu.memref_slice %arg6[%dma_start3A_151, %dma_start3A_152] : memref<512x128xf32, #tpu.memory_space<vmem>> -> memref<64x128xf32, #tpu.memory_space<vmem>>
    %dma_start3A_154 = arith.constant 0 : i32
    %dma_start3A_155 = tpu.memref_slice %arg4[%add3A_150, %dma_start3A_154] : memref<16384x128xf32, #tpu.memory_space<hbm>> -> memref<64x128xf32, #tpu.memory_space<hbm>>
    %dma_start3A_156 = arith.constant 0 : i32
    %dma_start3A_157 = tpu.memref_slice %arg4[%add3A_150, %dma_start3A_156] : memref<16384x128xf32, #tpu.memory_space<hbm>> -> memref<64x128xf32, #tpu.memory_space<hbm>>
    %dma_start3A_158 = arith.constant 192 : i32
    %dma_start3A_159 = arith.constant 0 : i32
    %dma_start3A_160 = tpu.memref_slice %arg6[%dma_start3A_158, %dma_start3A_159] : memref<512x128xf32, #tpu.memory_space<vmem>> -> memref<64x128xf32, #tpu.memory_space<vmem>>
    tpu.enqueue_dma source(%dma_start3A_160 : memref<64x128xf32, #tpu.memory_space<vmem>>) target(%dma_start3A_157 : memref<64x128xf32, #tpu.memory_space<hbm>>) target_semaphore(%arg16 : memref<!tpu.dma_semaphore, #tpu.memory_space<semaphore_mem>>)
    %dma_wait3A_161 = arith.constant 256 : i32
    %dma_wait3A_162 = arith.constant 0 : i32
    %dma_wait3A_163 = tpu.memref_slice %arg6[%dma_wait3A_161, %dma_wait3A_162] : memref<512x128xf32, #tpu.memory_space<vmem>> -> memref<64x128xf32, #tpu.memory_space<vmem>>
    %dma_wait3A_164 = arith.constant 256 : i32
    %dma_wait3A_165 = tpu.memref_slice %arg5[%dma_wait3A_164] : memref<512xi32, #tpu.memory_space<vmem>> -> memref<64xi32, #tpu.memory_space<vmem>>
    %dma_wait3A_166 = arith.constant 0 : i32
    %dma_wait3A_167 = arith.constant 0 : i32
    %dma_wait3A_168 = tpu.memref_slice %arg7[%dma_wait3A_166, %dma_wait3A_167] : memref<1000x128xf32, #tpu.memory_space<vmem_shared>> -> memref<1000x128xf32, #tpu.memory_space<vmem_shared>>
    tpu.wait_indirect_dma semaphore(%arg12 : memref<!tpu.dma_semaphore, #tpu.memory_space<semaphore_mem>>) src(%dma_wait3A_168 : memref<1000x128xf32, #tpu.memory_space<vmem_shared>>) dst(%dma_wait3A_163 : memref<64x128xf32, #tpu.memory_space<vmem>>)
    %add3A_169 = arith.constant 256 : i32
    %add3A_170 = arith.addi %mul3A_2, %add3A_169 : i32
    %dma_start3A_171 = arith.constant 256 : i32
    %dma_start3A_172 = arith.constant 0 : i32
    %dma_start3A_173 = tpu.memref_slice %arg6[%dma_start3A_171, %dma_start3A_172] : memref<512x128xf32, #tpu.memory_space<vmem>> -> memref<64x128xf32, #tpu.memory_space<vmem>>
    %dma_start3A_174 = arith.constant 0 : i32
    %dma_start3A_175 = tpu.memref_slice %arg4[%add3A_170, %dma_start3A_174] : memref<16384x128xf32, #tpu.memory_space<hbm>> -> memref<64x128xf32, #tpu.memory_space<hbm>>
    %dma_start3A_176 = arith.constant 0 : i32
    %dma_start3A_177 = tpu.memref_slice %arg4[%add3A_170, %dma_start3A_176] : memref<16384x128xf32, #tpu.memory_space<hbm>> -> memref<64x128xf32, #tpu.memory_space<hbm>>
    %dma_start3A_178 = arith.constant 256 : i32
    %dma_start3A_179 = arith.constant 0 : i32
    %dma_start3A_180 = tpu.memref_slice %arg6[%dma_start3A_178, %dma_start3A_179] : memref<512x128xf32, #tpu.memory_space<vmem>> -> memref<64x128xf32, #tpu.memory_space<vmem>>
    tpu.enqueue_dma source(%dma_start3A_180 : memref<64x128xf32, #tpu.memory_space<vmem>>) target(%dma_start3A_177 : memref<64x128xf32, #tpu.memory_space<hbm>>) target_semaphore(%arg16 : memref<!tpu.dma_semaphore, #tpu.memory_space<semaphore_mem>>)
    %dma_wait3A_181 = arith.constant 320 : i32
    %dma_wait3A_182 = arith.constant 0 : i32
    %dma_wait3A_183 = tpu.memref_slice %arg6[%dma_wait3A_181, %dma_wait3A_182] : memref<512x128xf32, #tpu.memory_space<vmem>> -> memref<64x128xf32, #tpu.memory_space<vmem>>
    %dma_wait3A_184 = arith.constant 320 : i32
    %dma_wait3A_185 = tpu.memref_slice %arg5[%dma_wait3A_184] : memref<512xi32, #tpu.memory_space<vmem>> -> memref<64xi32, #tpu.memory_space<vmem>>
    %dma_wait3A_186 = arith.constant 0 : i32
    %dma_wait3A_187 = arith.constant 0 : i32
    %dma_wait3A_188 = tpu.memref_slice %arg7[%dma_wait3A_186, %dma_wait3A_187] : memref<1000x128xf32, #tpu.memory_space<vmem_shared>> -> memref<1000x128xf32, #tpu.memory_space<vmem_shared>>
    tpu.wait_indirect_dma semaphore(%arg13 : memref<!tpu.dma_semaphore, #tpu.memory_space<semaphore_mem>>) src(%dma_wait3A_188 : memref<1000x128xf32, #tpu.memory_space<vmem_shared>>) dst(%dma_wait3A_183 : memref<64x128xf32, #tpu.memory_space<vmem>>)
    %add3A_189 = arith.constant 320 : i32
    %add3A_190 = arith.addi %mul3A_2, %add3A_189 : i32
    %dma_start3A_191 = arith.constant 320 : i32
    %dma_start3A_192 = arith.constant 0 : i32
    %dma_start3A_193 = tpu.memref_slice %arg6[%dma_start3A_191, %dma_start3A_192] : memref<512x128xf32, #tpu.memory_space<vmem>> -> memref<64x128xf32, #tpu.memory_space<vmem>>
    %dma_start3A_194 = arith.constant 0 : i32
    %dma_start3A_195 = tpu.memref_slice %arg4[%add3A_190, %dma_start3A_194] : memref<16384x128xf32, #tpu.memory_space<hbm>> -> memref<64x128xf32, #tpu.memory_space<hbm>>
    %dma_start3A_196 = arith.constant 0 : i32
    %dma_start3A_197 = tpu.memref_slice %arg4[%add3A_190, %dma_start3A_196] : memref<16384x128xf32, #tpu.memory_space<hbm>> -> memref<64x128xf32, #tpu.memory_space<hbm>>
    %dma_start3A_198 = arith.constant 320 : i32
    %dma_start3A_199 = arith.constant 0 : i32
    %dma_start3A_200 = tpu.memref_slice %arg6[%dma_start3A_198, %dma_start3A_199] : memref<512x128xf32, #tpu.memory_space<vmem>> -> memref<64x128xf32, #tpu.memory_space<vmem>>
    tpu.enqueue_dma source(%dma_start3A_200 : memref<64x128xf32, #tpu.memory_space<vmem>>) target(%dma_start3A_197 : memref<64x128xf32, #tpu.memory_space<hbm>>) target_semaphore(%arg16 : memref<!tpu.dma_semaphore, #tpu.memory_space<semaphore_mem>>)
    %dma_wait3A_201 = arith.constant 384 : i32
    %dma_wait3A_202 = arith.constant 0 : i32
    %dma_wait3A_203 = tpu.memref_slice %arg6[%dma_wait3A_201, %dma_wait3A_202] : memref<512x128xf32, #tpu.memory_space<vmem>> -> memref<64x128xf32, #tpu.memory_space<vmem>>
    %dma_wait3A_204 = arith.constant 384 : i32
    %dma_wait3A_205 = tpu.memref_slice %arg5[%dma_wait3A_204] : memref<512xi32, #tpu.memory_space<vmem>> -> memref<64xi32, #tpu.memory_space<vmem>>
    %dma_wait3A_206 = arith.constant 0 : i32
    %dma_wait3A_207 = arith.constant 0 : i32
    %dma_wait3A_208 = tpu.memref_slice %arg7[%dma_wait3A_206, %dma_wait3A_207] : memref<1000x128xf32, #tpu.memory_space<vmem_shared>> -> memref<1000x128xf32, #tpu.memory_space<vmem_shared>>
    tpu.wait_indirect_dma semaphore(%arg14 : memref<!tpu.dma_semaphore, #tpu.memory_space<semaphore_mem>>) src(%dma_wait3A_208 : memref<1000x128xf32, #tpu.memory_space<vmem_shared>>) dst(%dma_wait3A_203 : memref<64x128xf32, #tpu.memory_space<vmem>>)
    %add3A_209 = arith.constant 384 : i32
    %add3A_210 = arith.addi %mul3A_2, %add3A_209 : i32
    %dma_start3A_211 = arith.constant 384 : i32
    %dma_start3A_212 = arith.constant 0 : i32
    %dma_start3A_213 = tpu.memref_slice %arg6[%dma_start3A_211, %dma_start3A_212] : memref<512x128xf32, #tpu.memory_space<vmem>> -> memref<64x128xf32, #tpu.memory_space<vmem>>
    %dma_start3A_214 = arith.constant 0 : i32
    %dma_start3A_215 = tpu.memref_slice %arg4[%add3A_210, %dma_start3A_214] : memref<16384x128xf32, #tpu.memory_space<hbm>> -> memref<64x128xf32, #tpu.memory_space<hbm>>
    %dma_start3A_216 = arith.constant 0 : i32
    %dma_start3A_217 = tpu.memref_slice %arg4[%add3A_210, %dma_start3A_216] : memref<16384x128xf32, #tpu.memory_space<hbm>> -> memref<64x128xf32, #tpu.memory_space<hbm>>
    %dma_start3A_218 = arith.constant 384 : i32
    %dma_start3A_219 = arith.constant 0 : i32
    %dma_start3A_220 = tpu.memref_slice %arg6[%dma_start3A_218, %dma_start3A_219] : memref<512x128xf32, #tpu.memory_space<vmem>> -> memref<64x128xf32, #tpu.memory_space<vmem>>
    tpu.enqueue_dma source(%dma_start3A_220 : memref<64x128xf32, #tpu.memory_space<vmem>>) target(%dma_start3A_217 : memref<64x128xf32, #tpu.memory_space<hbm>>) target_semaphore(%arg16 : memref<!tpu.dma_semaphore, #tpu.memory_space<semaphore_mem>>)
    %dma_wait3A_221 = arith.constant 448 : i32
    %dma_wait3A_222 = arith.constant 0 : i32
    %dma_wait3A_223 = tpu.memref_slice %arg6[%dma_wait3A_221, %dma_wait3A_222] : memref<512x128xf32, #tpu.memory_space<vmem>> -> memref<64x128xf32, #tpu.memory_space<vmem>>
    %dma_wait3A_224 = arith.constant 448 : i32
    %dma_wait3A_225 = tpu.memref_slice %arg5[%dma_wait3A_224] : memref<512xi32, #tpu.memory_space<vmem>> -> memref<64xi32, #tpu.memory_space<vmem>>
    %dma_wait3A_226 = arith.constant 0 : i32
    %dma_wait3A_227 = arith.constant 0 : i32
    %dma_wait3A_228 = tpu.memref_slice %arg7[%dma_wait3A_226, %dma_wait3A_227] : memref<1000x128xf32, #tpu.memory_space<vmem_shared>> -> memref<1000x128xf32, #tpu.memory_space<vmem_shared>>
    tpu.wait_indirect_dma semaphore(%arg15 : memref<!tpu.dma_semaphore, #tpu.memory_space<semaphore_mem>>) src(%dma_wait3A_228 : memref<1000x128xf32, #tpu.memory_space<vmem_shared>>) dst(%dma_wait3A_223 : memref<64x128xf32, #tpu.memory_space<vmem>>)
    %add3A_229 = arith.constant 448 : i32
    %add3A_230 = arith.addi %mul3A_2, %add3A_229 : i32
    %dma_start3A_231 = arith.constant 448 : i32
    %dma_start3A_232 = arith.constant 0 : i32
    %dma_start3A_233 = tpu.memref_slice %arg6[%dma_start3A_231, %dma_start3A_232] : memref<512x128xf32, #tpu.memory_space<vmem>> -> memref<64x128xf32, #tpu.memory_space<vmem>>
    %dma_start3A_234 = arith.constant 0 : i32
    %dma_start3A_235 = tpu.memref_slice %arg4[%add3A_230, %dma_start3A_234] : memref<16384x128xf32, #tpu.memory_space<hbm>> -> memref<64x128xf32, #tpu.memory_space<hbm>>
    %dma_start3A_236 = arith.constant 0 : i32
    %dma_start3A_237 = tpu.memref_slice %arg4[%add3A_230, %dma_start3A_236] : memref<16384x128xf32, #tpu.memory_space<hbm>> -> memref<64x128xf32, #tpu.memory_space<hbm>>
    %dma_start3A_238 = arith.constant 448 : i32
    %dma_start3A_239 = arith.constant 0 : i32
    %dma_start3A_240 = tpu.memref_slice %arg6[%dma_start3A_238, %dma_start3A_239] : memref<512x128xf32, #tpu.memory_space<vmem>> -> memref<64x128xf32, #tpu.memory_space<vmem>>
    tpu.enqueue_dma source(%dma_start3A_240 : memref<64x128xf32, #tpu.memory_space<vmem>>) target(%dma_start3A_237 : memref<64x128xf32, #tpu.memory_space<hbm>>) target_semaphore(%arg16 : memref<!tpu.dma_semaphore, #tpu.memory_space<semaphore_mem>>)
    %dma_wait3A_241 = arith.constant 0 : i32
    %dma_wait3A_242 = arith.constant 0 : i32
    %dma_wait3A_243 = tpu.memref_slice %arg6[%dma_wait3A_241, %dma_wait3A_242] : memref<512x128xf32, #tpu.memory_space<vmem>> -> memref<64x128xf32, #tpu.memory_space<vmem>>
    %dma_wait3A_244 = arith.constant 0 : i32
    %dma_wait3A_245 = tpu.memref_slice %arg4[%add3A_90, %dma_wait3A_244] : memref<16384x128xf32, #tpu.memory_space<hbm>> -> memref<64x128xf32, #tpu.memory_space<hbm>>
    %dma_wait3A_246 = arith.constant 0 : i32
    %dma_wait3A_247 = tpu.memref_slice %arg4[%add3A_90, %dma_wait3A_246] : memref<16384x128xf32, #tpu.memory_space<hbm>> -> memref<64x128xf32, #tpu.memory_space<hbm>>
    %dma_wait3A_248 = arith.constant 0 : i32
    %dma_wait3A_249 = arith.constant 0 : i32
    %dma_wait3A_250 = tpu.memref_slice %arg6[%dma_wait3A_248, %dma_wait3A_249] : memref<512x128xf32, #tpu.memory_space<vmem>> -> memref<64x128xf32, #tpu.memory_space<vmem>>
    tpu.wait_dma2 semaphore(%arg16 : memref<!tpu.dma_semaphore, #tpu.memory_space<semaphore_mem>>) src(%dma_wait3A_250 : memref<64x128xf32, #tpu.memory_space<vmem>>) dst(%dma_wait3A_247 : memref<64x128xf32, #tpu.memory_space<hbm>>)
    %dma_wait3A_251 = arith.constant 64 : i32
    %dma_wait3A_252 = arith.constant 0 : i32
    %dma_wait3A_253 = tpu.memref_slice %arg6[%dma_wait3A_251, %dma_wait3A_252] : memref<512x128xf32, #tpu.memory_space<vmem>> -> memref<64x128xf32, #tpu.memory_space<vmem>>
    %dma_wait3A_254 = arith.constant 0 : i32
    %dma_wait3A_255 = tpu.memref_slice %arg4[%add3A_110, %dma_wait3A_254] : memref<16384x128xf32, #tpu.memory_space<hbm>> -> memref<64x128xf32, #tpu.memory_space<hbm>>
    %dma_wait3A_256 = arith.constant 0 : i32
    %dma_wait3A_257 = tpu.memref_slice %arg4[%add3A_110, %dma_wait3A_256] : memref<16384x128xf32, #tpu.memory_space<hbm>> -> memref<64x128xf32, #tpu.memory_space<hbm>>
    %dma_wait3A_258 = arith.constant 64 : i32
    %dma_wait3A_259 = arith.constant 0 : i32
    %dma_wait3A_260 = tpu.memref_slice %arg6[%dma_wait3A_258, %dma_wait3A_259] : memref<512x128xf32, #tpu.memory_space<vmem>> -> memref<64x128xf32, #tpu.memory_space<vmem>>
    tpu.wait_dma2 semaphore(%arg16 : memref<!tpu.dma_semaphore, #tpu.memory_space<semaphore_mem>>) src(%dma_wait3A_260 : memref<64x128xf32, #tpu.memory_space<vmem>>) dst(%dma_wait3A_257 : memref<64x128xf32, #tpu.memory_space<hbm>>)
    %dma_wait3A_261 = arith.constant 128 : i32
    %dma_wait3A_262 = arith.constant 0 : i32
    %dma_wait3A_263 = tpu.memref_slice %arg6[%dma_wait3A_261, %dma_wait3A_262] : memref<512x128xf32, #tpu.memory_space<vmem>> -> memref<64x128xf32, #tpu.memory_space<vmem>>
    %dma_wait3A_264 = arith.constant 0 : i32
    %dma_wait3A_265 = tpu.memref_slice %arg4[%add3A_130, %dma_wait3A_264] : memref<16384x128xf32, #tpu.memory_space<hbm>> -> memref<64x128xf32, #tpu.memory_space<hbm>>
    %dma_wait3A_266 = arith.constant 0 : i32
    %dma_wait3A_267 = tpu.memref_slice %arg4[%add3A_130, %dma_wait3A_266] : memref<16384x128xf32, #tpu.memory_space<hbm>> -> memref<64x128xf32, #tpu.memory_space<hbm>>
    %dma_wait3A_268 = arith.constant 128 : i32
    %dma_wait3A_269 = arith.constant 0 : i32
    %dma_wait3A_270 = tpu.memref_slice %arg6[%dma_wait3A_268, %dma_wait3A_269] : memref<512x128xf32, #tpu.memory_space<vmem>> -> memref<64x128xf32, #tpu.memory_space<vmem>>
    tpu.wait_dma2 semaphore(%arg16 : memref<!tpu.dma_semaphore, #tpu.memory_space<semaphore_mem>>) src(%dma_wait3A_270 : memref<64x128xf32, #tpu.memory_space<vmem>>) dst(%dma_wait3A_267 : memref<64x128xf32, #tpu.memory_space<hbm>>)
    %dma_wait3A_271 = arith.constant 192 : i32
    %dma_wait3A_272 = arith.constant 0 : i32
    %dma_wait3A_273 = tpu.memref_slice %arg6[%dma_wait3A_271, %dma_wait3A_272] : memref<512x128xf32, #tpu.memory_space<vmem>> -> memref<64x128xf32, #tpu.memory_space<vmem>>
    %dma_wait3A_274 = arith.constant 0 : i32
    %dma_wait3A_275 = tpu.memref_slice %arg4[%add3A_150, %dma_wait3A_274] : memref<16384x128xf32, #tpu.memory_space<hbm>> -> memref<64x128xf32, #tpu.memory_space<hbm>>
    %dma_wait3A_276 = arith.constant 0 : i32
    %dma_wait3A_277 = tpu.memref_slice %arg4[%add3A_150, %dma_wait3A_276] : memref<16384x128xf32, #tpu.memory_space<hbm>> -> memref<64x128xf32, #tpu.memory_space<hbm>>
    %dma_wait3A_278 = arith.constant 192 : i32
    %dma_wait3A_279 = arith.constant 0 : i32
    %dma_wait3A_280 = tpu.memref_slice %arg6[%dma_wait3A_278, %dma_wait3A_279] : memref<512x128xf32, #tpu.memory_space<vmem>> -> memref<64x128xf32, #tpu.memory_space<vmem>>
    tpu.wait_dma2 semaphore(%arg16 : memref<!tpu.dma_semaphore, #tpu.memory_space<semaphore_mem>>) src(%dma_wait3A_280 : memref<64x128xf32, #tpu.memory_space<vmem>>) dst(%dma_wait3A_277 : memref<64x128xf32, #tpu.memory_space<hbm>>)
    %dma_wait3A_281 = arith.constant 256 : i32
    %dma_wait3A_282 = arith.constant 0 : i32
    %dma_wait3A_283 = tpu.memref_slice %arg6[%dma_wait3A_281, %dma_wait3A_282] : memref<512x128xf32, #tpu.memory_space<vmem>> -> memref<64x128xf32, #tpu.memory_space<vmem>>
    %dma_wait3A_284 = arith.constant 0 : i32
    %dma_wait3A_285 = tpu.memref_slice %arg4[%add3A_170, %dma_wait3A_284] : memref<16384x128xf32, #tpu.memory_space<hbm>> -> memref<64x128xf32, #tpu.memory_space<hbm>>
    %dma_wait3A_286 = arith.constant 0 : i32
    %dma_wait3A_287 = tpu.memref_slice %arg4[%add3A_170, %dma_wait3A_286] : memref<16384x128xf32, #tpu.memory_space<hbm>> -> memref<64x128xf32, #tpu.memory_space<hbm>>
    %dma_wait3A_288 = arith.constant 256 : i32
    %dma_wait3A_289 = arith.constant 0 : i32
    %dma_wait3A_290 = tpu.memref_slice %arg6[%dma_wait3A_288, %dma_wait3A_289] : memref<512x128xf32, #tpu.memory_space<vmem>> -> memref<64x128xf32, #tpu.memory_space<vmem>>
    tpu.wait_dma2 semaphore(%arg16 : memref<!tpu.dma_semaphore, #tpu.memory_space<semaphore_mem>>) src(%dma_wait3A_290 : memref<64x128xf32, #tpu.memory_space<vmem>>) dst(%dma_wait3A_287 : memref<64x128xf32, #tpu.memory_space<hbm>>)
    %dma_wait3A_291 = arith.constant 320 : i32
    %dma_wait3A_292 = arith.constant 0 : i32
    %dma_wait3A_293 = tpu.memref_slice %arg6[%dma_wait3A_291, %dma_wait3A_292] : memref<512x128xf32, #tpu.memory_space<vmem>> -> memref<64x128xf32, #tpu.memory_space<vmem>>
    %dma_wait3A_294 = arith.constant 0 : i32
    %dma_wait3A_295 = tpu.memref_slice %arg4[%add3A_190, %dma_wait3A_294] : memref<16384x128xf32, #tpu.memory_space<hbm>> -> memref<64x128xf32, #tpu.memory_space<hbm>>
    %dma_wait3A_296 = arith.constant 0 : i32
    %dma_wait3A_297 = tpu.memref_slice %arg4[%add3A_190, %dma_wait3A_296] : memref<16384x128xf32, #tpu.memory_space<hbm>> -> memref<64x128xf32, #tpu.memory_space<hbm>>
    %dma_wait3A_298 = arith.constant 320 : i32
    %dma_wait3A_299 = arith.constant 0 : i32
    %dma_wait3A_300 = tpu.memref_slice %arg6[%dma_wait3A_298, %dma_wait3A_299] : memref<512x128xf32, #tpu.memory_space<vmem>> -> memref<64x128xf32, #tpu.memory_space<vmem>>
    tpu.wait_dma2 semaphore(%arg16 : memref<!tpu.dma_semaphore, #tpu.memory_space<semaphore_mem>>) src(%dma_wait3A_300 : memref<64x128xf32, #tpu.memory_space<vmem>>) dst(%dma_wait3A_297 : memref<64x128xf32, #tpu.memory_space<hbm>>)
    %dma_wait3A_301 = arith.constant 384 : i32
    %dma_wait3A_302 = arith.constant 0 : i32
    %dma_wait3A_303 = tpu.memref_slice %arg6[%dma_wait3A_301, %dma_wait3A_302] : memref<512x128xf32, #tpu.memory_space<vmem>> -> memref<64x128xf32, #tpu.memory_space<vmem>>
    %dma_wait3A_304 = arith.constant 0 : i32
    %dma_wait3A_305 = tpu.memref_slice %arg4[%add3A_210, %dma_wait3A_304] : memref<16384x128xf32, #tpu.memory_space<hbm>> -> memref<64x128xf32, #tpu.memory_space<hbm>>
    %dma_wait3A_306 = arith.constant 0 : i32
    %dma_wait3A_307 = tpu.memref_slice %arg4[%add3A_210, %dma_wait3A_306] : memref<16384x128xf32, #tpu.memory_space<hbm>> -> memref<64x128xf32, #tpu.memory_space<hbm>>
    %dma_wait3A_308 = arith.constant 384 : i32
    %dma_wait3A_309 = arith.constant 0 : i32
    %dma_wait3A_310 = tpu.memref_slice %arg6[%dma_wait3A_308, %dma_wait3A_309] : memref<512x128xf32, #tpu.memory_space<vmem>> -> memref<64x128xf32, #tpu.memory_space<vmem>>
    tpu.wait_dma2 semaphore(%arg16 : memref<!tpu.dma_semaphore, #tpu.memory_space<semaphore_mem>>) src(%dma_wait3A_310 : memref<64x128xf32, #tpu.memory_space<vmem>>) dst(%dma_wait3A_307 : memref<64x128xf32, #tpu.memory_space<hbm>>)
    %dma_wait3A_311 = arith.constant 448 : i32
    %dma_wait3A_312 = arith.constant 0 : i32
    %dma_wait3A_313 = tpu.memref_slice %arg6[%dma_wait3A_311, %dma_wait3A_312] : memref<512x128xf32, #tpu.memory_space<vmem>> -> memref<64x128xf32, #tpu.memory_space<vmem>>
    %dma_wait3A_314 = arith.constant 0 : i32
    %dma_wait3A_315 = tpu.memref_slice %arg4[%add3A_230, %dma_wait3A_314] : memref<16384x128xf32, #tpu.memory_space<hbm>> -> memref<64x128xf32, #tpu.memory_space<hbm>>
    %dma_wait3A_316 = arith.constant 0 : i32
    %dma_wait3A_317 = tpu.memref_slice %arg4[%add3A_230, %dma_wait3A_316] : memref<16384x128xf32, #tpu.memory_space<hbm>> -> memref<64x128xf32, #tpu.memory_space<hbm>>
    %dma_wait3A_318 = arith.constant 448 : i32
    %dma_wait3A_319 = arith.constant 0 : i32
    %dma_wait3A_320 = tpu.memref_slice %arg6[%dma_wait3A_318, %dma_wait3A_319] : memref<512x128xf32, #tpu.memory_space<vmem>> -> memref<64x128xf32, #tpu.memory_space<vmem>>
    tpu.wait_dma2 semaphore(%arg16 : memref<!tpu.dma_semaphore, #tpu.memory_space<semaphore_mem>>) src(%dma_wait3A_320 : memref<64x128xf32, #tpu.memory_space<vmem>>) dst(%dma_wait3A_317 : memref<64x128xf32, #tpu.memory_space<hbm>>)
    return
  }
}

</mosaic_0001>

<sc_bundles>
// kernel: kernel.3.cloned.1.call-start
scs
__scs_entry_jumppad:
0x0: {  	(pc) =	sbr.rel $0x88, $3  }
0x1: {  	(tag) =	ssettag $0x0;
	lr =	simm.s32 $0x1  }
0x2: {  	[smem:$0x3F9F] =	sst lr;
	_ =	strace $0xD0000000  }
0x3: {  	_ = 	snop  }
0x4: {  	_ = 	snop  }
0x5: {  	_ = 	snop  }
0x6: {  	_ = 	snop  }
0x7: {  	_ = 	snop  }
__scs_overlays_trampoline_lowered:
0x8: {  	[smem:$0x3FAE] =	sst s0  }
0x9: {  	[smem:$0x3FAF] =	sst s1  }
0xa: {  	[smem:$0x3FB0] =	sst s2  }
0xb: {  	[smem:$0x3FB1] =	sst s3  }
0xc: {  	[smem:$0x3FB2] =	sst s4  }
0xd: {  	[smem:$0x3FB3] =	sst s5  }
0xe: {  	[smem:$0x3FB4] =	sst s6  }
0xf: {  	[smem:$0x3FB5] =	sst s7  }
0x10: {  	[smem:$0x3FB6] =	sst s8  }
0x11: {  	[smem:$0x3FB7] =	sst s9;
	s0 =	simm.s32 @!p0 $0x0  }
0x12: {  	s1 =	sld [smem:$0x3F9D];
	s0 =	simm.s32 @p0 $0x1  }
0x13: {  	[smem:$0x3FB8] =	sst s0;
	s0 =	simm.s32 @!p1 $0x0  }
0x14: {  	s2 =	sld [smem:$0x3F9C];
	s0 =	simm.s32 @p1 $0x1  }
0x15: {  	[smem:$0x3FB9] =	sst s0;
	s0 =	simm.s32 @!p2 $0x0  }
0x16: {  	s3 =	sld [smem:$0x3FDB];
	s0 =	simm.s32 @p2 $0x1  }
0x17: {  	s4 =	simm.s32 $0x1BF5;
	[smem:$0x3FBB] =	sst s0  }
0x18: {  	s0 =	sld [smem:$0x3F9E];
	_ =	swait.ge [sflag:s4], $0x0  }
0x19: {  	s7 =	sld [smem:$0x3F9F]  }
0x1a: {  	s8 =	sadd.s32 $0xFFFFE003, lr  }
0x1b: {  	s9 =	sadd.s32 $0xFFFFFEF7, lr;
	s5 =	simm.s32 $0xFFFFFFFF;
	p2 =	slt.u32 s8, $0xFFFFF086  }
0x1c: {  	p1 =	slt.u32 s9, $0xF7A;
	s5 =	simm.s32 @!p2 $0x0  }
0x1d: {  	s5 =	simm.s32 @p1 $0x1;
	p0 =	seq.s32 s7, s2  }
0x1e: {  	s7 =	smul.u32 @!p0 $0xF7A, s2;
	p2 =	seq.s32 @!p0 s5, $0x0  }
0x1f: {  	s9 =	smul.u32 $0xF7A, s1;
	s8 =	simm.s32 @!p0 $0x1BF5;
	p2 =	por !p2, p0  }
0x20: {  	[sflag:s8] =	ssyncset.s32 @!p0 $0xFFFFF086;
	s6 =	sadd.s32 @!p0 s3, s7;
	s7 =	simm.s32 @!p0 $0x108  }
0x21: {  	s3 =	sadd.s32 s3, s9;
	s6 =	sadd.s32 @!p0 $0x88, s6;
	s7 =	simm.s32 @p2 $0x1082  }
0x22: {  	[simem:s7], [sflag:s8] =	dma.local @!p0 [hbm:s6], $0xF7A  }
0x23: {  	s9 =	sor.u32 $0xD0000000, s2;
	s6 =	simm.s32 $0x108;
	_ =	swait.ge @!p0 [sflag:s8], $0x0  }
0x24: {  	s3 =	sadd.s32 $0x88, s3;
	s6 =	simm.s32 @!p1 $0x1082;
	[sflag:s4] =	ssyncset.s32 $0xFFFFF086  }
0x25: {  	[simem:s6], [sflag:s4] =	dma.local [hbm:s3], $0xF7A  }
0x26: {  	[smem:$0x3F9F] =	sst s1;
	(tag) =	ssettag s2;
	_ =	strace s9  }
0x27: {  	s1 =	sld [smem:$0x3FAF]  }
0x28: {  	s2 =	sld [smem:$0x3FB0]  }
0x29: {  	s4 =	sld [smem:$0x3FB2]  }
0x2a: {  	p0 =	seq.s32 s5, $0x0;
	s5 =	sld [smem:$0x3FB3]  }
0x2b: {  	s6 =	sld [smem:$0x3FB4]  }
0x2c: {  	s7 =	sld [smem:$0x3FB5]  }
0x2d: {  	s3 =	simm.s32 $0x108;
	s8 =	sld [smem:$0x3FB6]  }
0x2e: {  	s3 =	simm.s32 @!p0 $0x1082;
	s9 =	sld [smem:$0x3FB7]  }
0x2f: {  	lr =	sadd.s32 s0, s3;
	s0 =	sld [smem:$0x3FAE]  }
0x30: {  	s3 =	sld [smem:$0x3FB1]  }
0x31: {  	[smem:$0x3FBA] =	sst s10  }
0x32: {  	s10 =	sld [smem:$0x3FB8];
	_ =	sdelay $0x3  }
0x33: {  	p0 =	seq.s32 s10, $0x1;
	s10 =	sld [smem:$0x3FBA];
	_ =	sdelay $0x3  }
0x34: {  	[smem:$0x3FBA] =	sst s10  }
0x35: {  	s10 =	sld [smem:$0x3FB9];
	_ =	sdelay $0x3  }
0x36: {  	p1 =	seq.s32 s10, $0x1;
	s10 =	sld [smem:$0x3FBA];
	_ =	sdelay $0x3  }
0x37: {  	[smem:$0x3FBA] =	sst s10  }
0x38: {  	s10 =	sld [smem:$0x3FBB]  }
0x39: {  	_ = 	snop;
	(pc) =	sbr.ind lr, $3  }
0x3a: {  	_ = 	snop  }
0x3b: {  	_ = 	snop  }
0x3c: {  	p2 =	seq.s32 s10, $0x1;
	s10 =	sld [smem:$0x3FBA]  }
0x3d: {  	_ =	shalt  }
0x3e: {  	_ =	shalt  }
0x3f: {  	_ =	shalt  }
0x40: {  	_ =	shalt  }
0x41: {  	_ =	shalt  }
0x42: {  	_ =	shalt  }
0x43: {  	_ =	shalt  }
0x44: {  	_ =	shalt  }
0x45: {  	_ =	shalt  }
0x46: {  	_ =	shalt  }
0x47: {  	_ =	shalt  }
0x48: {  	_ =	shalt  }
0x49: {  	_ =	shalt  }
0x4a: {  	_ =	shalt  }
0x4b: {  	_ =	shalt  }
0x4c: {  	_ =	shalt  }
0x4d: {  	_ =	shalt  }
0x4e: {  	_ =	shalt  }
0x4f: {  	_ =	shalt  }
0x50: {  	_ =	shalt  }
0x51: {  	_ =	shalt  }
0x52: {  	_ =	shalt  }
0x53: {  	_ =	shalt  }
0x54: {  	_ =	shalt  }
0x55: {  	_ =	shalt  }
0x56: {  	_ =	shalt  }
0x57: {  	_ =	shalt  }
0x58: {  	_ =	shalt  }
0x59: {  	_ =	shalt  }
0x5a: {  	_ =	shalt  }
0x5b: {  	_ =	shalt  }
0x5c: {  	_ =	shalt  }
0x5d: {  	_ =	shalt  }
0x5e: {  	_ =	shalt  }
0x5f: {  	_ =	shalt  }
0x60: {  	_ =	shalt  }
0x61: {  	_ =	shalt  }
0x62: {  	_ =	shalt  }
0x63: {  	_ =	shalt  }
0x64: {  	_ =	shalt  }
0x65: {  	_ =	shalt  }
0x66: {  	_ =	shalt  }
0x67: {  	_ =	shalt  }
0x68: {  	_ =	shalt  }
0x69: {  	_ =	shalt  }
0x6a: {  	_ =	shalt  }
0x6b: {  	_ =	shalt  }
0x6c: {  	_ =	shalt  }
0x6d: {  	_ =	shalt  }
0x6e: {  	_ =	shalt  }
0x6f: {  	_ =	shalt  }
0x70: {  	_ =	shalt  }
0x71: {  	_ =	shalt  }
0x72: {  	_ =	shalt  }
0x73: {  	_ =	shalt  }
0x74: {  	_ =	shalt  }
0x75: {  	_ =	shalt  }
0x76: {  	_ =	shalt  }
0x77: {  	_ =	shalt  }
0x78: {  	_ =	shalt  }
0x79: {  	_ =	shalt  }
0x7a: {  	_ =	shalt  }
0x7b: {  	_ =	shalt  }
0x7c: {  	_ =	shalt  }
0x7d: {  	_ =	shalt  }
0x7e: {  	_ =	shalt  }
0x7f: {  	_ =	shalt  }
0x80: {  	_ =	shalt  }
0x81: {  	_ =	shalt  }
0x82: {  	_ =	shalt  }
0x83: {  	_ =	shalt  }
0x84: {  	_ =	shalt  }
0x85: {  	_ =	shalt  }
0x86: {  	_ =	shalt  }
0x87: {  	_ =	shalt  }
.Lfunc_end0:
.L_simem_size_0:
called_computation_lowered:
.L_overlay_start_0:
0x88: {  	s2 =	sld [smem:$0x3FD9]  }
0x89: {  	s3 =	sld [smem:$0x3FFE];
	_ =	sdelay $0x1  }
0x8a: {  	s1 =	srdreg.scid  }
0x8b: {  	s0 =	sand.u32 $0x1, s1  }
0x8c: {  	s18 =	sshll.u32 s0, $0xA;
	s2 =	sadd.s32 s3, s2  }
0x8d: {  	s2 =	sadd.s32 s2, s18  }
0x8e: {  	[smem:$0x3FC6] =	sst s2  }
0x8f: {  	_ = 	snop  }
0x90: {  	s2 =	sld [smem:$0x3FC9]  }
0x91: {  	s19 =	sld [smem:$0x3FC8]  }
0x92: {  	s4 =	sld [smem:$0x3FD0];
	(tm) =	ssettm $0x1  }
0x93: {  	s5 =	sld [smem:$0x3FFB];
	_ =	sdelay $0x3  }
0x94: {  	_ =	strace s5  }
0x95: {  	s5 =	sld [smem:$0x3FFC];
	_ =	sdelay $0x3  }
0x96: {  	_ =	strace s5  }
0x97: {  	s5 =	sld [smem:$0x3FFD];
	_ =	sdelay $0x3  }
0x98: {  	_ =	strace s5  }
0x99: {  	_ =	strace $0x8FFFFFFF  }
0x9a: {  	s20 =	sld [smem:$0x3FDB];
	_ =	sdelay $0x1  }
0x9b: {  	s6 =	simm.s32 $_scs_section_size  }
0x9c: {  	s7 =	simm.s32 $_size__tile_overlayer_lowered;
	s8 =	simm.s32 $_tile_overlayer_lowered  }
0x9d: {  	s23 =	simm.s32 $0x1BFF;
	s22 =	sshll.u32 s8, $0x1;
	s5 =	sadd.s32 s6, s20  }
0x9e: {  	s9 =	simm.s32 $0x0;
	s21 =	sshll.u32 s7, $0x1;
	s7 =	sadd.s32 s22, s5  }
0x9f: {  	[timem:s9], [sflag:s23] =	dma.local [hbm:s7], s21  }
0xa0: {  	_ =	swait.ge [sflag:s23], s21  }
0xa1: {  	s6 =	ssub.s32 $0x0, s21;
	[sflag:s23] =	ssyncset.done $0x0  }
0xa2: {  	[sflag:s23] =	ssyncadd.s32 s6;
	_ =	sdelay $0x1  }
0xa3: {  	s24 =	simm.s32 $0x1B8B  }
0xa4: {  	_ =	swait.ge [sflag:s24], $0x1  }
0xa5: {  	[sflag:s24] =	ssyncset.done $0x0  }
0xa6: {  	s25 =	simm.s32 $0x1B8E;
	[sflag:s24] =	ssyncadd.s32 $0xFFFFFFFF  }
0xa7: {  	s26 =	simm.s32 $execute0_lowered;
	[smem:$0x3FD2] =	sst s25  }
0xa8: {  	s6 =	sshll.u32 s26, $0x1;
	_ =	strace $0x80000046;
	[dreg:$0x1] =	wrdreg $0xFFFFFFFF  }
0xa9: {  	s28 =	simm.s32 $_size_execute0_lowered;
	s5 =	sadd.s32 s5, s6;
	[dreg:$0x0] =	wrdreg $0x0  }
0xaa: {  	s6 =	sshll.u32 s28, $0x1;
	[dreg:$0x2] =	wrdreg s5  }
0xab: {  	[dreg:$0x3] =	wrdreg s6  }
0xac: {  	[dreg:$0x4] =	wrdreg $0xC0  }
0xad: {  	_ =	task [dreg:s9], $0x5FFFF  }
0xae: {  	[dreg:$0x1] =	wrdreg $0xFFFFFFFF  }
0xaf: {  	[dreg:$0x0] =	wrdreg $0x60  }
0xb0: {  	[dreg:$0x2] =	wrdreg s2  }
0xb1: {  	[dreg:$0x3] =	wrdreg s19  }
0xb2: {  	[dreg:$0x4] =	wrdreg s4  }
0xb3: {  	[dreg:$0x5] =	wrdreg $0x102000  }
0xb4: {  	[dreg:$0x6] =	wrdreg $0x9  }
0xb5: {  	_ =	task.clear_ibuf [dreg:s9], $0x7FFFF;
	_ =	strace $0x90000046  }
0xb6: {  	s29 =	simm.s32 $0x9;
	_ =	strace $0x80000048  }
0xb7: {  	_ =	swait.ge [sflag:s29], $0x1  }
0xb8: {  	[sflag:s29] =	ssyncadd.s32 $0xFFFFFFFF  }
0xb9: {  	_ =	strace $0x90000048  }
0xba: {  	_ =	sfence  }
0xbb: {  	s30 =	sld [smem:$0x0];
	_ =	sdelay $0x2  }
0xbc: {  	s31 =	sshll.u32 s1, $0xD;
	s1 =	sshrl.u32 s1, $0x2  }
0xbd: {  	s3 =	sand.u32 $0x4000, s31;
	s1 =	sadd.s32 s1, s30  }
0xbe: {  	s0 =	sor.u32 s3, s0;
	s1 =	sshll.u32 s1, $0x11  }
0xbf: {  	s0 =	sor.u32 s1, s0  }
0xc0: {  	s0 =	sadd.s32 $0x8F2B, s0  }
0xc1: {  	[sflag:s0] =	ssyncadd.remote.s32 $0x1  }
0xc2: {  	_ =	sfence.sel $0xFFFF  }
0xc3: {  	[dreg:$0x0] =	wrdreg $0xFFFFFFFF;
	(pc) =	sbr.abs _section_cstart, $3  }
0xc4: {  	[dreg:$0x1] =	wrdreg $0xFFFFFFFF  }
0xc5: {  	_ =	task.clear_ibuf [dreg:s9], $0x2FFFF;
	_ =	strace $0x9FFFFFFF  }
0xc6: {  	(tm) =	ssettm $0x7FFFFFFF  }
0xc7: {  	_ =	shalt  }
tec
execute0_lowered:
.L_overlay_start_1:
0x0: {  	(tag) =	ssettag $0x1  }
0x1: {  	s0 =	rddreg [dreg:$0x0]  }
0x2: {  	s2 =	rddreg [dreg:$0x1]  }
0x3: {  	s4 =	rddreg [dreg:$0x2]  }
0x4: {  	s1 =	rddreg [dreg:$0x3];
	s3 =	simm.s32 $0x0;
	s5 =	srdreg.scid  }
0x5: {  	s10 =	stileid.u32;
	s17 =	simm.s32 $0xA;
	s18 =	simm.s32 $0x40  }
0x6: {  	s19 =	simm.s32 $0x200;
	s20 =	simm.s32 $0x2200;
	s29 =	simm.s32 $0xA200  }
0x7: {  	s31 =	simm.s32 $0xC200;
	s28 =	simm.s32 $0x4;
	s30 =	simm.s32 $0x5  }
0x8: {  	[smem:$0x7FF] =	sst s3;
	s5 =	sand.u32 $0x1, s5;
	s21 =	smul.u32 $0x19000, s10  }
0x9: {  	s7 =	sshll.u32 s10, $0xA;
	s9 =	smul.u32 $0xC80, s10;
	p0 =	sgt.u32 s10, $0x4  }
0xa: {  	s6 =	ssub.s32 $0x2, s5;
	s5 =	sshll.u32 s5, $0x9;
	_ =	strace $0x80000047  }
0xb: {  	s8 =	sshrl.u32 s6, $0x1;
	s5 =	sor.u32 s5, s7;
	s7 =	sshrl.u32 s21, $0x2  }
0xc: {  	s2 =	sadd.s32 s2, s9;
	s21 =	simm.s32 $0x1;
	s6 =	ssub.s32 s6, s8  }
0xd: {  	s22 =	sshrl.u32 s5, $0x3;
	s5 =	sshll.u32 s5, $0x4;
	[dreg:$0x6] =	wrdreg s2  }
0xe: {  	s2 =	sshll.u32 @!p0 s10, $0x6;
	s8 =	simm.s32 $0x0;
	s0 =	sadd.s32 s0, s22  }
0xf: {  	s5 =	sadd.s32 s4, s5;
	s14 =	smax.u32 s6, $0x1;
	s15 =	sor.u32 @!p0 $0x1C0B, s2  }
0x10: {  	s22 =	simm.s32 $0x4200;
	s2 =	simm.s32 $0xE200;
	s4 =	simm.s32 $0x7  }
0x11: {  	s6 =	simm.s32 $0x8;
	[dreg:$0x5] =	wrdreg s0;
	s23 =	sadd.s32 $0x400, s5  }
0x12: {  	s0 =	sadd.s32 s7, s1;
	s24 =	sadd.s32 $0x800, s5;
	[dreg:$0x7] =	wrdreg s23  }
0x13: {  	s25 =	sadd.s32 $0xC00, s5;
	s26 =	sadd.s32 $0x1000, s5;
	[dreg:$0x8] =	wrdreg s24  }
0x14: {  	s11 =	sadd.s32 $0x1400, s5;
	s12 =	sadd.s32 $0x1800, s5;
	[dreg:$0x9] =	wrdreg s25  }
0x15: {  	s13 =	sadd.s32 $0x1C00, s5;
	s7 =	simm.s32 $0x9;
	[dreg:$0xa] =	wrdreg s26  }
0x16: {  	s16 =	sshrl.u32 @!p0 s0, $0x3;
	s24 =	simm.s32 $0x6200;
	s26 =	simm.s32 $0x8200  }
0x17: {  	s23 =	simm.s32 $0x2;
	s25 =	simm.s32 $0x3;
	s0 =	simm.s32 $0x6  }
.LBB2_1:
0x18: {  	s9 =	rddreg [dreg:$0x5]  }
0x19: {  	[tilespmem:s3], [sflag:$0xA] =	stream.linear.gather [hbm4b:s9+s3], $0x200, $0x38;
	[tilespmem:$0x12140] =	vst v63  }
0x1a: {  	s9 =	rddreg [dreg:$0x6]  }
0x1b: {  	[spmem:s16], [sflag:s15] =	dma.local @!p0 [hbm:s9], $0xC80  }
0x1c: {  	_ =	swait.ge [sflag:s17], $0x200  }
0x1d: {  	[sflag:s17] =	ssyncset.done $0x0  }
0x1e: {  	s10 =	simm.s32 $0x40;
	s9 =	simm.s32 $0x0;
	[sflag:s17] =	ssyncadd.s32 $0xFFFFFE00  }
.LBB2_2:
0x1f: {  	p1 =	sne.s32 s10, $0x7C0;
	v0 =	vld [tilespmem:s9+$0x0];
	_ =	sdelay $0x3  }
.Ltmp0:
0x20: {  	(pc) =	sbr.rel @p1 .LBB2_2-.Ltmp0, $4  }
0x21: {  	vm0 =	vgt.s32 v0, $0x0  }
0x22: {  	v0 =	vnsel vm0, $0x0, v0  }
0x23: {  	v0 =	vmin.u32 v0, $0x3E7  }
0x24: {  	[tilespmem:s9+$0x0] =	vst v0;
	s9 =	sshra.s32 s10, $0x2;
	s10 =	sadd.s32 $0x40, s10  }
0x25: {  	v0 =	vld [tilespmem:s9+$0x0];
	_ =	sdelay $0x4  }
0x26: {  	vm0 =	vgt.s32 v0, $0x0  }
0x27: {  	v0 =	vnsel vm0, $0x0, v0  }
0x28: {  	v0 =	vmin.u32 v0, $0x3E7  }
0x29: {  	[tilespmem:s9+$0x0] =	vst v0;
	s9 =	simm.s32 @!p0 $0xB  }
0x2a: {  	_ =	swait.ge @!p0 [sflag:s9], $0xC80  }
0x2b: {  	[sflag:s9] =	ssyncset.done @!p0 $0x0  }
0x2c: {  	[sflag:s9] =	ssyncadd.s32 @!p0 $0xFFFFF380  }
0x2d: {  	[bflag:$0x0] =	sbarrier.arrive $0xFFFF  }
0x2e: {  	[tilespmem:s19], [sflag:$0x1] =	stream.indirect.gather [spmem:s1], $0x80, s3, s18, $0xb8;
	[tilespmem:$0x12140] =	vst v63  }
0x2f: {  	_ = 	snop  }
0x30: {  	[tilespmem:s20], [sflag:$0x2] =	stream.indirect.gather [spmem:s1], $0x80, s18, s18, $0xb8;
	[tilespmem:$0x12140] =	vst v63  }
0x31: {  	s10 =	simm.s32 $0x80  }
0x32: {  	[tilespmem:s22], [sflag:$0x3] =	stream.indirect.gather [spmem:s1], $0x80, s10, s18, $0xb8;
	[tilespmem:$0x12140] =	vst v63  }
0x33: {  	s10 =	simm.s32 $0xC0  }
0x34: {  	[tilespmem:s24], [sflag:$0x4] =	stream.indirect.gather [spmem:s1], $0x80, s10, s18, $0xb8;
	[tilespmem:$0x12140] =	vst v63  }
0x35: {  	s10 =	simm.s32 $0x100  }
0x36: {  	[tilespmem:s26], [sflag:$0x5] =	stream.indirect.gather [spmem:s1], $0x80, s10, s18, $0xb8;
	[tilespmem:$0x12140] =	vst v63  }
0x37: {  	s10 =	simm.s32 $0x140  }
0x38: {  	[tilespmem:s29], [sflag:$0x6] =	stream.indirect.gather [spmem:s1], $0x80, s10, s18, $0xb8;
	[tilespmem:$0x12140] =	vst v63  }
0x39: {  	s10 =	simm.s32 $0x180  }
0x3a: {  	[tilespmem:s31], [sflag:$0x7] =	stream.indirect.gather [spmem:s1], $0x80, s10, s18, $0xb8;
	[tilespmem:$0x12140] =	vst v63  }
0x3b: {  	s10 =	simm.s32 $0x1C0  }
0x3c: {  	[tilespmem:s2], [sflag:$0x8] =	stream.indirect.gather [spmem:s1], $0x80, s10, s18, $0xb8;
	[tilespmem:$0x12140] =	vst v63  }
0x3d: {  	_ =	swait.ge [sflag:s21], $0x2000  }
0x3e: {  	[sflag:s21] =	ssyncset.done $0x0  }
0x3f: {  	[sflag:s21] =	ssyncadd.s32 $0xFFFFE000  }
0x40: {  	[hbm4b:s5+s3] =	stream.linear.scatter [tilespmem:s19], [sflag:$0x9], $0x2000, $0x38;
	[tilespmem:$0x12140] =	vst v63  }
0x41: {  	_ =	swait.ge [sflag:s23], $0x2000  }
0x42: {  	[sflag:s23] =	ssyncset.done $0x0  }
0x43: {  	s10 =	rddreg [dreg:$0x7];
	[sflag:s23] =	ssyncadd.s32 $0xFFFFE000  }
0x44: {  	[hbm4b:s10+s3] =	stream.linear.scatter [tilespmem:s20], [sflag:$0x9], $0x2000, $0x38;
	[tilespmem:$0x12140] =	vst v63  }
0x45: {  	_ =	swait.ge [sflag:s25], $0x2000  }
0x46: {  	[sflag:s25] =	ssyncset.done $0x0  }
0x47: {  	s10 =	rddreg [dreg:$0x8];
	[sflag:s25] =	ssyncadd.s32 $0xFFFFE000  }
0x48: {  	[hbm4b:s10+s3] =	stream.linear.scatter [tilespmem:s22], [sflag:$0x9], $0x2000, $0x38;
	[tilespmem:$0x12140] =	vst v63  }
0x49: {  	_ =	swait.ge [sflag:s28], $0x2000  }
0x4a: {  	[sflag:s28] =	ssyncset.done $0x0  }
0x4b: {  	s10 =	rddreg [dreg:$0x9];
	[sflag:s28] =	ssyncadd.s32 $0xFFFFE000  }
0x4c: {  	[hbm4b:s10+s3] =	stream.linear.scatter [tilespmem:s24], [sflag:$0x9], $0x2000, $0x38;
	[tilespmem:$0x12140] =	vst v63  }
0x4d: {  	_ =	swait.ge [sflag:s30], $0x2000  }
0x4e: {  	[sflag:s30] =	ssyncset.done $0x0  }
0x4f: {  	s10 =	rddreg [dreg:$0xa];
	[sflag:s30] =	ssyncadd.s32 $0xFFFFE000  }
0x50: {  	[hbm4b:s10+s3] =	stream.linear.scatter [tilespmem:s26], [sflag:$0x9], $0x2000, $0x38;
	[tilespmem:$0x12140] =	vst v63  }
0x51: {  	_ =	swait.ge [sflag:s0], $0x2000  }
0x52: {  	[sflag:s0] =	ssyncset.done $0x0  }
0x53: {  	[sflag:s0] =	ssyncadd.s32 $0xFFFFE000  }
0x54: {  	[hbm4b:s11+s3] =	stream.linear.scatter [tilespmem:s29], [sflag:$0x9], $0x2000, $0x38;
	[tilespmem:$0x12140] =	vst v63  }
0x55: {  	_ =	swait.ge [sflag:s4], $0x2000  }
0x56: {  	[sflag:s4] =	ssyncset.done $0x0  }
0x57: {  	[sflag:s4] =	ssyncadd.s32 $0xFFFFE000  }
0x58: {  	[hbm4b:s12+s3] =	stream.linear.scatter [tilespmem:s31], [sflag:$0x9], $0x2000, $0x38;
	[tilespmem:$0x12140] =	vst v63  }
0x59: {  	_ =	swait.ge [sflag:s6], $0x2000  }
0x5a: {  	[sflag:s6] =	ssyncset.done $0x0  }
0x5b: {  	[sflag:s6] =	ssyncadd.s32 $0xFFFFE000  }
0x5c: {  	[hbm4b:s13+s3] =	stream.linear.scatter [tilespmem:s2], [sflag:$0x9], $0x2000, $0x38;
	[tilespmem:$0x12140] =	vst v63  }
0x5d: {  	_ =	swait.ge [sflag:s7], $0x2000  }
0x5e: {  	[sflag:s7] =	ssyncset.done $0x0  }
0x5f: {  	[sflag:s7] =	ssyncadd.s32 $0xFFFFE000  }
0x60: {  	_ =	swait.ge [sflag:s7], $0x2000  }
0x61: {  	[sflag:s7] =	ssyncset.done $0x0  }
0x62: {  	[sflag:s7] =	ssyncadd.s32 $0xFFFFE000  }
0x63: {  	_ =	swait.ge [sflag:s7], $0x2000  }
0x64: {  	[sflag:s7] =	ssyncset.done $0x0  }
0x65: {  	[sflag:s7] =	ssyncadd.s32 $0xFFFFE000  }
0x66: {  	_ =	swait.ge [sflag:s7], $0x2000  }
0x67: {  	[sflag:s7] =	ssyncset.done $0x0  }
0x68: {  	[sflag:s7] =	ssyncadd.s32 $0xFFFFE000  }
0x69: {  	_ =	swait.ge [sflag:s7], $0x2000  }
0x6a: {  	[sflag:s7] =	ssyncset.done $0x0  }
0x6b: {  	[sflag:s7] =	ssyncadd.s32 $0xFFFFE000  }
0x6c: {  	_ =	swait.ge [sflag:s7], $0x2000  }
0x6d: {  	[sflag:s7] =	ssyncset.done $0x0  }
0x6e: {  	s8 =	sadd.s32 $0x1, s8;
	[sflag:s7] =	ssyncadd.s32 $0xFFFFE000  }
0x6f: {  	p1 =	sne.s32 s8, s14;
	_ =	swait.ge [sflag:s7], $0x2000  }
.Ltmp1:
0x70: {  	[sflag:s7] =	ssyncset.done $0x0;
	(pc) =	sbr.rel @p1 .LBB2_1-.Ltmp1, $4  }
0x71: {  	[sflag:s7] =	ssyncadd.s32 $0xFFFFE000  }
0x72: {  	_ =	swait.ge [sflag:s7], $0x2000  }
0x73: {  	[sflag:s7] =	ssyncset.done $0x0  }
0x74: {  	[sflag:s7] =	ssyncadd.s32 $0xFFFFE000  }
0x75: {  	_ =	sfence.sel $0x180000  }
0x76: {  	[bflag:$0x0] =	sbarrier.arrive $0xFFFF  }
0x77: {  	_ =	strace $0x90000047  }
0x78: {  	s0 =	stileid.u32;
	[bflag:$0x2] =	sbarrier.arrive $0xFFFF  }
0x79: {  	p0 =	sne.s32 s0, $0x0;
	s0 =	rddreg [dreg:$0x4]  }
0x7a: {  	s0 =	sadd.s32 @!p0 $0x100000, s0  }
0x7b: {  	[sflag:s0] =	ssyncadd.tile.s32 @!p0 $0x1;
	_ =	shalt  }
.Lfunc_end2:
_tile_overlayer_lowered:
.L_overlay_start_2:
0x7c: {  	(tag) =	ssettag $0x2  }
0x7d: {  	s0 =	rddreg [dreg:$0x0];
	s2 =	stileid.u32  }
0x7e: {  	s1 =	rddreg [dreg:$0x1];
	p0 =	sne.s32 s2, $0x0  }
0x7f: {  	s3 =	rddreg [dreg:$0x2];
	[bflag:$0x3] =	sbarrier.arrive $0xFFFF;
	s2 =	simm.s32 @!p0 $0x1C0C  }
0x80: {  	[timem:s3], [sflag:s2] =	dma.local @!p0 [hbm:s0], s1  }
0x81: {  	s0 =	simm.s32 @!p0 $0xC  }
0x82: {  	_ =	swait.ge @!p0 [sflag:s0], s1  }
0x83: {  	s1 =	ssub.s32 @!p0 $0x0, s1;
	[sflag:s0] =	ssyncset.done @!p0 $0x0  }
0x84: {  	[sflag:s0] =	ssyncadd.s32 @!p0 s1  }
0x85: {  	[bflag:$0x3] =	sbarrier.arrive $0xFFFF  }
0x86: {  	_ =	shalt  }

</sc_bundles>
